<compile_context>
chip_gen: v7x
topology: tpu7x:2x2x1
jax: 0.10.2.dev20260603
libtpu: 0.0.44.dev20260713+nightly
codegen_flags: <defaults>
</compile_context>

<pallas_src>
import functools

import jax
import jax.numpy as jnp
from jax import lax
from jax.experimental import pallas as pl
from jax.experimental.pallas import tpu as pltpu
from jax.experimental.pallas import tpu_sc as plsc

BATCH = 16384
D = 64
NC = 2
NS = 16
NW = NC * NS
BPW = BATCH // NW
CHUNK = 128
NCHUNK = BPW // CHUNK


def _bpr_body(user_h, pos_h, neg_h, ut_h, it_h, outp_h, outn_h,
              uidx, pidx, nidx, urows, prows, nrows, outp_v, outn_v, sem):
    wid = lax.axis_index("s") * NC + lax.axis_index("c")
    base = wid * BPW

    pltpu.sync_copy(user_h.at[pl.ds(base, BPW)], uidx)
    pltpu.sync_copy(pos_h.at[pl.ds(base, BPW)], pidx)
    pltpu.sync_copy(neg_h.at[pl.ds(base, BPW)], nidx)

    copies = []
    for j in range(NCHUNK):
        sl = pl.ds(j * CHUNK, CHUNK)
        copies.append(pltpu.async_copy(ut_h.at[uidx.at[sl]], urows.at[sl], sem))
        copies.append(pltpu.async_copy(it_h.at[pidx.at[sl]], prows.at[sl], sem))
        copies.append(pltpu.async_copy(it_h.at[nidx.at[sl]], nrows.at[sl], sem))
    for c in copies:
        c.wait()

    def group(g, carry):
        rows = g * 16 + lax.iota(jnp.int32, 16)

        def col(c, accs):
            ap, an = accs
            cols = jnp.full((16,), c, jnp.int32)
            u = plsc.load_gather(urows, [rows, cols])
            p = plsc.load_gather(prows, [rows, cols])
            n = plsc.load_gather(nrows, [rows, cols])
            return ap + u * p, an + u * n

        zero = jnp.zeros((16,), jnp.float32)
        ap, an = lax.fori_loop(0, D, col, (zero, zero))
        outp_v[pl.ds(g * 16, 16)] = ap
        outn_v[pl.ds(g * 16, 16)] = an
        return carry

    lax.fori_loop(0, BPW // 16, group, 0)

    pltpu.sync_copy(outp_v, outp_h.at[pl.ds(base, BPW)])
    pltpu.sync_copy(outn_v, outn_h.at[pl.ds(base, BPW)])


@jax.jit
def kernel(user, pos_item, neg_item, user_table, item_table):
    mesh = plsc.VectorSubcoreMesh(core_axis_name="c", subcore_axis_name="s")
    f = pl.kernel(
        _bpr_body,
        mesh=mesh,
        compiler_params=pltpu.CompilerParams(
            needs_layout_passes=False, use_tc_tiling_on_sc=False),
        out_type=(
            jax.ShapeDtypeStruct((BATCH,), jnp.float32),
            jax.ShapeDtypeStruct((BATCH,), jnp.float32),
        ),
        scratch_types=[
            pltpu.VMEM((BPW,), jnp.int32),
            pltpu.VMEM((BPW,), jnp.int32),
            pltpu.VMEM((BPW,), jnp.int32),
            pltpu.VMEM((BPW, D), jnp.float32),
            pltpu.VMEM((BPW, D), jnp.float32),
            pltpu.VMEM((BPW, D), jnp.float32),
            pltpu.VMEM((BPW,), jnp.float32),
            pltpu.VMEM((BPW,), jnp.float32),
            pltpu.SemaphoreType.DMA,
        ],
    )
    return f(user, pos_item, neg_item, user_table, item_table)

# --- scband reference (transcript-rebuilt; emitter-appended) ---
"""Pipeline reference for scband-bpr-42657615184090 (READ-ONLY COPY).

The authoritative reference and input builder live on the scoring server;
editing this copy changes nothing except your own understanding.
"""

import jax, jax.numpy as jnp
import numpy as np

NUM_USERS = 1000000
NUM_ITEMS = 1000000
LATENT_DIM = 64
BATCH = 16384

def setup_inputs(seed: int = 0) -> dict:
    key = jax.random.key(seed)
    k1, k2, k3, k4, k5 = jax.random.split(key, 5)
    user = jax.random.randint(k1, (BATCH,), 0, NUM_USERS, dtype=jnp.int64 if jax.config.jax_enable_x64 else jnp.int32).astype(jnp.int32)
    pos_item = jax.random.randint(k2, (BATCH,), 0, NUM_ITEMS, dtype=jnp.int32)
    neg_item = jax.random.randint(k3, (BATCH,), 0, NUM_ITEMS, dtype=jnp.int32)
    user_table = jax.random.normal(k4, (NUM_USERS, LATENT_DIM), dtype=jnp.float32)
    item_table = jax.random.normal(k5, (NUM_ITEMS, LATENT_DIM), dtype=jnp.float32)
    return {"user": user, "pos_item": pos_item, "neg_item": neg_item, "user_table": user_table, "item_table": item_table}

def reference(user, pos_item, neg_item, user_table, item_table):
    user_embed = jnp.take(user_table, user, axis=0)
    pos_item_embed = jnp.take(item_table, pos_item, axis=0)
    neg_item_embed = jnp.take(item_table, neg_item, axis=0)
    pos_scores = jnp.sum(user_embed * pos_item_embed, axis=1)
    neg_scores = jnp.sum(user_embed * neg_item_embed, axis=1)
    return (pos_scores, neg_scores)

if __name__ == "__main__":
    import jax
    _d = setup_inputs()
    print(jax.jit(kernel)(*tuple(_d.values())))

</pallas_src>

<mosaic_0001>
#map = affine_map<(d0, d1) -> (0)>
#map1 = affine_map<(d0, d1) -> (0, 0)>
module attributes {stable_mosaic.version = 14 : i64} {
  func.func @_bpr_body(%arg0: i32, %arg1: i32, %arg2: memref<16384xi32, #tpu.memory_space<hbm>>, %arg3: memref<16384xi32, #tpu.memory_space<hbm>>, %arg4: memref<16384xi32, #tpu.memory_space<hbm>>, %arg5: memref<1000000x64xf32, #tpu.memory_space<hbm>>, %arg6: memref<1000000x64xf32, #tpu.memory_space<hbm>>, %arg7: memref<16384xf32, #tpu.memory_space<hbm>>, %arg8: memref<16384xf32, #tpu.memory_space<hbm>>, %arg9: memref<512xi32, #tpu.memory_space<vmem>>, %arg10: memref<512xi32, #tpu.memory_space<vmem>>, %arg11: memref<512xi32, #tpu.memory_space<vmem>>, %arg12: memref<512x64xf32, #tpu.memory_space<vmem>>, %arg13: memref<512x64xf32, #tpu.memory_space<vmem>>, %arg14: memref<512x64xf32, #tpu.memory_space<vmem>>, %arg15: memref<512xf32, #tpu.memory_space<vmem>>, %arg16: memref<512xf32, #tpu.memory_space<vmem>>, %arg17: memref<!tpu.dma_semaphore, #tpu.memory_space<semaphore_mem>>) attributes {dimension_semantics = [#tpu.dimension_semantics<core_parallel>, #tpu.dimension_semantics<subcore_parallel>], iteration_bounds = array<i64: 2, 16>, scalar_prefetch = 0 : i64, scratch_operands = 9 : i64, tpu.core_type = #tpu.core_type<sc_vector_subcore>, window_params = [{transform_indices = #map}, {transform_indices = #map}, {transform_indices = #map}, {transform_indices = #map1}, {transform_indices = #map1}, {transform_indices = #map}, {transform_indices = #map}]} {
    %mul3A = arith.constant 2 : i32
    %mul3A_0 = arith.muli %arg1, %mul3A : i32
    %add3A = arith.addi %mul3A_0, %arg0 : i32
    %mul3A_1 = arith.constant 512 : i32
    %mul3A_2 = arith.muli %add3A, %mul3A_1 : i32
    "tpu.region"() ({
      %run_scoped3A = tpu.sem_alloc : memref<!tpu.dma_semaphore, #tpu.memory_space<semaphore_mem>>
      %dma_start3A_198 = tpu.memref_slice %arg2[%mul3A_2] : memref<16384xi32, #tpu.memory_space<hbm>> -> memref<512xi32, #tpu.memory_space<hbm>>
      %dma_start3A_199 = tpu.memref_slice %arg2[%mul3A_2] : memref<16384xi32, #tpu.memory_space<hbm>> -> memref<512xi32, #tpu.memory_space<hbm>>
      tpu.enqueue_dma source(%dma_start3A_199 : memref<512xi32, #tpu.memory_space<hbm>>) target(%arg9 : memref<512xi32, #tpu.memory_space<vmem>>) target_semaphore(%run_scoped3A : memref<!tpu.dma_semaphore, #tpu.memory_space<semaphore_mem>>)
      %dma_wait3A_200 = tpu.memref_slice %arg2[%mul3A_2] : memref<16384xi32, #tpu.memory_space<hbm>> -> memref<512xi32, #tpu.memory_space<hbm>>
      %dma_wait3A_201 = tpu.memref_slice %arg2[%mul3A_2] : memref<16384xi32, #tpu.memory_space<hbm>> -> memref<512xi32, #tpu.memory_space<hbm>>
      tpu.wait_dma2 semaphore(%run_scoped3A : memref<!tpu.dma_semaphore, #tpu.memory_space<semaphore_mem>>) src(%dma_wait3A_201 : memref<512xi32, #tpu.memory_space<hbm>>) dst(%arg9 : memref<512xi32, #tpu.memory_space<vmem>>)
      tpu.yield
    }) : () -> ()
    "tpu.region"() ({
      %run_scoped3A = tpu.sem_alloc : memref<!tpu.dma_semaphore, #tpu.memory_space<semaphore_mem>>
      %dma_start3A_198 = tpu.memref_slice %arg3[%mul3A_2] : memref<16384xi32, #tpu.memory_space<hbm>> -> memref<512xi32, #tpu.memory_space<hbm>>
      %dma_start3A_199 = tpu.memref_slice %arg3[%mul3A_2] : memref<16384xi32, #tpu.memory_space<hbm>> -> memref<512xi32, #tpu.memory_space<hbm>>
      tpu.enqueue_dma source(%dma_start3A_199 : memref<512xi32, #tpu.memory_space<hbm>>) target(%arg10 : memref<512xi32, #tpu.memory_space<vmem>>) target_semaphore(%run_scoped3A : memref<!tpu.dma_semaphore, #tpu.memory_space<semaphore_mem>>)
      %dma_wait3A_200 = tpu.memref_slice %arg3[%mul3A_2] : memref<16384xi32, #tpu.memory_space<hbm>> -> memref<512xi32, #tpu.memory_space<hbm>>
      %dma_wait3A_201 = tpu.memref_slice %arg3[%mul3A_2] : memref<16384xi32, #tpu.memory_space<hbm>> -> memref<512xi32, #tpu.memory_space<hbm>>
      tpu.wait_dma2 semaphore(%run_scoped3A : memref<!tpu.dma_semaphore, #tpu.memory_space<semaphore_mem>>) src(%dma_wait3A_201 : memref<512xi32, #tpu.memory_space<hbm>>) dst(%arg10 : memref<512xi32, #tpu.memory_space<vmem>>)
      tpu.yield
    }) : () -> ()
    "tpu.region"() ({
      %run_scoped3A = tpu.sem_alloc : memref<!tpu.dma_semaphore, #tpu.memory_space<semaphore_mem>>
      %dma_start3A_198 = tpu.memref_slice %arg4[%mul3A_2] : memref<16384xi32, #tpu.memory_space<hbm>> -> memref<512xi32, #tpu.memory_space<hbm>>
      %dma_start3A_199 = tpu.memref_slice %arg4[%mul3A_2] : memref<16384xi32, #tpu.memory_space<hbm>> -> memref<512xi32, #tpu.memory_space<hbm>>
      tpu.enqueue_dma source(%dma_start3A_199 : memref<512xi32, #tpu.memory_space<hbm>>) target(%arg11 : memref<512xi32, #tpu.memory_space<vmem>>) target_semaphore(%run_scoped3A : memref<!tpu.dma_semaphore, #tpu.memory_space<semaphore_mem>>)
      %dma_wait3A_200 = tpu.memref_slice %arg4[%mul3A_2] : memref<16384xi32, #tpu.memory_space<hbm>> -> memref<512xi32, #tpu.memory_space<hbm>>
      %dma_wait3A_201 = tpu.memref_slice %arg4[%mul3A_2] : memref<16384xi32, #tpu.memory_space<hbm>> -> memref<512xi32, #tpu.memory_space<hbm>>
      tpu.wait_dma2 semaphore(%run_scoped3A : memref<!tpu.dma_semaphore, #tpu.memory_space<semaphore_mem>>) src(%dma_wait3A_201 : memref<512xi32, #tpu.memory_space<hbm>>) dst(%arg11 : memref<512xi32, #tpu.memory_space<vmem>>)
      tpu.yield
    }) : () -> ()
    %dma_start3A = arith.constant 0 : i32
    %dma_start3A_3 = arith.constant 0 : i32
    %dma_start3A_4 = tpu.memref_slice %arg12[%dma_start3A, %dma_start3A_3] : memref<512x64xf32, #tpu.memory_space<vmem>> -> memref<128x64xf32, #tpu.memory_space<vmem>>
    %dma_start3A_5 = arith.constant 0 : i32
    %dma_start3A_6 = tpu.memref_slice %arg9[%dma_start3A_5] : memref<512xi32, #tpu.memory_space<vmem>> -> memref<128xi32, #tpu.memory_space<vmem>>
    %dma_start3A_7 = arith.constant 0 : i32
    %dma_start3A_8 = arith.constant 0 : i32
    %dma_start3A_9 = tpu.memref_slice %arg5[%dma_start3A_7, %dma_start3A_8] : memref<1000000x64xf32, #tpu.memory_space<hbm>> -> memref<1000000x64xf32, #tpu.memory_space<hbm>>
    tpu.enqueue_indirect_dma source(%dma_start3A_9 : memref<1000000x64xf32, #tpu.memory_space<hbm>>) target(%dma_start3A_4 : memref<128x64xf32, #tpu.memory_space<vmem>>) offsets(%dma_start3A_6 : memref<128xi32, #tpu.memory_space<vmem>>) semaphore(%arg17 : memref<!tpu.dma_semaphore, #tpu.memory_space<semaphore_mem>>)
    %dma_start3A_10 = arith.constant 0 : i32
    %dma_start3A_11 = arith.constant 0 : i32
    %dma_start3A_12 = tpu.memref_slice %arg13[%dma_start3A_10, %dma_start3A_11] : memref<512x64xf32, #tpu.memory_space<vmem>> -> memref<128x64xf32, #tpu.memory_space<vmem>>
    %dma_start3A_13 = arith.constant 0 : i32
    %dma_start3A_14 = tpu.memref_slice %arg10[%dma_start3A_13] : memref<512xi32, #tpu.memory_space<vmem>> -> memref<128xi32, #tpu.memory_space<vmem>>
    %dma_start3A_15 = arith.constant 0 : i32
    %dma_start3A_16 = arith.constant 0 : i32
    %dma_start3A_17 = tpu.memref_slice %arg6[%dma_start3A_15, %dma_start3A_16] : memref<1000000x64xf32, #tpu.memory_space<hbm>> -> memref<1000000x64xf32, #tpu.memory_space<hbm>>
    tpu.enqueue_indirect_dma source(%dma_start3A_17 : memref<1000000x64xf32, #tpu.memory_space<hbm>>) target(%dma_start3A_12 : memref<128x64xf32, #tpu.memory_space<vmem>>) offsets(%dma_start3A_14 : memref<128xi32, #tpu.memory_space<vmem>>) semaphore(%arg17 : memref<!tpu.dma_semaphore, #tpu.memory_space<semaphore_mem>>)
    %dma_start3A_18 = arith.constant 0 : i32
    %dma_start3A_19 = arith.constant 0 : i32
    %dma_start3A_20 = tpu.memref_slice %arg14[%dma_start3A_18, %dma_start3A_19] : memref<512x64xf32, #tpu.memory_space<vmem>> -> memref<128x64xf32, #tpu.memory_space<vmem>>
    %dma_start3A_21 = arith.constant 0 : i32
    %dma_start3A_22 = tpu.memref_slice %arg11[%dma_start3A_21] : memref<512xi32, #tpu.memory_space<vmem>> -> memref<128xi32, #tpu.memory_space<vmem>>
    %dma_start3A_23 = arith.constant 0 : i32
    %dma_start3A_24 = arith.constant 0 : i32
    %dma_start3A_25 = tpu.memref_slice %arg6[%dma_start3A_23, %dma_start3A_24] : memref<1000000x64xf32, #tpu.memory_space<hbm>> -> memref<1000000x64xf32, #tpu.memory_space<hbm>>
    tpu.enqueue_indirect_dma source(%dma_start3A_25 : memref<1000000x64xf32, #tpu.memory_space<hbm>>) target(%dma_start3A_20 : memref<128x64xf32, #tpu.memory_space<vmem>>) offsets(%dma_start3A_22 : memref<128xi32, #tpu.memory_space<vmem>>) semaphore(%arg17 : memref<!tpu.dma_semaphore, #tpu.memory_space<semaphore_mem>>)
    %dma_start3A_26 = arith.constant 128 : i32
    %dma_start3A_27 = arith.constant 0 : i32
    %dma_start3A_28 = tpu.memref_slice %arg12[%dma_start3A_26, %dma_start3A_27] : memref<512x64xf32, #tpu.memory_space<vmem>> -> memref<128x64xf32, #tpu.memory_space<vmem>>
    %dma_start3A_29 = arith.constant 128 : i32
    %dma_start3A_30 = tpu.memref_slice %arg9[%dma_start3A_29] : memref<512xi32, #tpu.memory_space<vmem>> -> memref<128xi32, #tpu.memory_space<vmem>>
    %dma_start3A_31 = arith.constant 0 : i32
    %dma_start3A_32 = arith.constant 0 : i32
    %dma_start3A_33 = tpu.memref_slice %arg5[%dma_start3A_31, %dma_start3A_32] : memref<1000000x64xf32, #tpu.memory_space<hbm>> -> memref<1000000x64xf32, #tpu.memory_space<hbm>>
    tpu.enqueue_indirect_dma source(%dma_start3A_33 : memref<1000000x64xf32, #tpu.memory_space<hbm>>) target(%dma_start3A_28 : memref<128x64xf32, #tpu.memory_space<vmem>>) offsets(%dma_start3A_30 : memref<128xi32, #tpu.memory_space<vmem>>) semaphore(%arg17 : memref<!tpu.dma_semaphore, #tpu.memory_space<semaphore_mem>>)
    %dma_start3A_34 = arith.constant 128 : i32
    %dma_start3A_35 = arith.constant 0 : i32
    %dma_start3A_36 = tpu.memref_slice %arg13[%dma_start3A_34, %dma_start3A_35] : memref<512x64xf32, #tpu.memory_space<vmem>> -> memref<128x64xf32, #tpu.memory_space<vmem>>
    %dma_start3A_37 = arith.constant 128 : i32
    %dma_start3A_38 = tpu.memref_slice %arg10[%dma_start3A_37] : memref<512xi32, #tpu.memory_space<vmem>> -> memref<128xi32, #tpu.memory_space<vmem>>
    %dma_start3A_39 = arith.constant 0 : i32
    %dma_start3A_40 = arith.constant 0 : i32
    %dma_start3A_41 = tpu.memref_slice %arg6[%dma_start3A_39, %dma_start3A_40] : memref<1000000x64xf32, #tpu.memory_space<hbm>> -> memref<1000000x64xf32, #tpu.memory_space<hbm>>
    tpu.enqueue_indirect_dma source(%dma_start3A_41 : memref<1000000x64xf32, #tpu.memory_space<hbm>>) target(%dma_start3A_36 : memref<128x64xf32, #tpu.memory_space<vmem>>) offsets(%dma_start3A_38 : memref<128xi32, #tpu.memory_space<vmem>>) semaphore(%arg17 : memref<!tpu.dma_semaphore, #tpu.memory_space<semaphore_mem>>)
    %dma_start3A_42 = arith.constant 128 : i32
    %dma_start3A_43 = arith.constant 0 : i32
    %dma_start3A_44 = tpu.memref_slice %arg14[%dma_start3A_42, %dma_start3A_43] : memref<512x64xf32, #tpu.memory_space<vmem>> -> memref<128x64xf32, #tpu.memory_space<vmem>>
    %dma_start3A_45 = arith.constant 128 : i32
    %dma_start3A_46 = tpu.memref_slice %arg11[%dma_start3A_45] : memref<512xi32, #tpu.memory_space<vmem>> -> memref<128xi32, #tpu.memory_space<vmem>>
    %dma_start3A_47 = arith.constant 0 : i32
    %dma_start3A_48 = arith.constant 0 : i32
    %dma_start3A_49 = tpu.memref_slice %arg6[%dma_start3A_47, %dma_start3A_48] : memref<1000000x64xf32, #tpu.memory_space<hbm>> -> memref<1000000x64xf32, #tpu.memory_space<hbm>>
    tpu.enqueue_indirect_dma source(%dma_start3A_49 : memref<1000000x64xf32, #tpu.memory_space<hbm>>) target(%dma_start3A_44 : memref<128x64xf32, #tpu.memory_space<vmem>>) offsets(%dma_start3A_46 : memref<128xi32, #tpu.memory_space<vmem>>) semaphore(%arg17 : memref<!tpu.dma_semaphore, #tpu.memory_space<semaphore_mem>>)
    %dma_start3A_50 = arith.constant 256 : i32
    %dma_start3A_51 = arith.constant 0 : i32
    %dma_start3A_52 = tpu.memref_slice %arg12[%dma_start3A_50, %dma_start3A_51] : memref<512x64xf32, #tpu.memory_space<vmem>> -> memref<128x64xf32, #tpu.memory_space<vmem>>
    %dma_start3A_53 = arith.constant 256 : i32
    %dma_start3A_54 = tpu.memref_slice %arg9[%dma_start3A_53] : memref<512xi32, #tpu.memory_space<vmem>> -> memref<128xi32, #tpu.memory_space<vmem>>
    %dma_start3A_55 = arith.constant 0 : i32
    %dma_start3A_56 = arith.constant 0 : i32
    %dma_start3A_57 = tpu.memref_slice %arg5[%dma_start3A_55, %dma_start3A_56] : memref<1000000x64xf32, #tpu.memory_space<hbm>> -> memref<1000000x64xf32, #tpu.memory_space<hbm>>
    tpu.enqueue_indirect_dma source(%dma_start3A_57 : memref<1000000x64xf32, #tpu.memory_space<hbm>>) target(%dma_start3A_52 : memref<128x64xf32, #tpu.memory_space<vmem>>) offsets(%dma_start3A_54 : memref<128xi32, #tpu.memory_space<vmem>>) semaphore(%arg17 : memref<!tpu.dma_semaphore, #tpu.memory_space<semaphore_mem>>)
    %dma_start3A_58 = arith.constant 256 : i32
    %dma_start3A_59 = arith.constant 0 : i32
    %dma_start3A_60 = tpu.memref_slice %arg13[%dma_start3A_58, %dma_start3A_59] : memref<512x64xf32, #tpu.memory_space<vmem>> -> memref<128x64xf32, #tpu.memory_space<vmem>>
    %dma_start3A_61 = arith.constant 256 : i32
    %dma_start3A_62 = tpu.memref_slice %arg10[%dma_start3A_61] : memref<512xi32, #tpu.memory_space<vmem>> -> memref<128xi32, #tpu.memory_space<vmem>>
    %dma_start3A_63 = arith.constant 0 : i32
    %dma_start3A_64 = arith.constant 0 : i32
    %dma_start3A_65 = tpu.memref_slice %arg6[%dma_start3A_63, %dma_start3A_64] : memref<1000000x64xf32, #tpu.memory_space<hbm>> -> memref<1000000x64xf32, #tpu.memory_space<hbm>>
    tpu.enqueue_indirect_dma source(%dma_start3A_65 : memref<1000000x64xf32, #tpu.memory_space<hbm>>) target(%dma_start3A_60 : memref<128x64xf32, #tpu.memory_space<vmem>>) offsets(%dma_start3A_62 : memref<128xi32, #tpu.memory_space<vmem>>) semaphore(%arg17 : memref<!tpu.dma_semaphore, #tpu.memory_space<semaphore_mem>>)
    %dma_start3A_66 = arith.constant 256 : i32
    %dma_start3A_67 = arith.constant 0 : i32
    %dma_start3A_68 = tpu.memref_slice %arg14[%dma_start3A_66, %dma_start3A_67] : memref<512x64xf32, #tpu.memory_space<vmem>> -> memref<128x64xf32, #tpu.memory_space<vmem>>
    %dma_start3A_69 = arith.constant 256 : i32
    %dma_start3A_70 = tpu.memref_slice %arg11[%dma_start3A_69] : memref<512xi32, #tpu.memory_space<vmem>> -> memref<128xi32, #tpu.memory_space<vmem>>
    %dma_start3A_71 = arith.constant 0 : i32
    %dma_start3A_72 = arith.constant 0 : i32
    %dma_start3A_73 = tpu.memref_slice %arg6[%dma_start3A_71, %dma_start3A_72] : memref<1000000x64xf32, #tpu.memory_space<hbm>> -> memref<1000000x64xf32, #tpu.memory_space<hbm>>
    tpu.enqueue_indirect_dma source(%dma_start3A_73 : memref<1000000x64xf32, #tpu.memory_space<hbm>>) target(%dma_start3A_68 : memref<128x64xf32, #tpu.memory_space<vmem>>) offsets(%dma_start3A_70 : memref<128xi32, #tpu.memory_space<vmem>>) semaphore(%arg17 : memref<!tpu.dma_semaphore, #tpu.memory_space<semaphore_mem>>)
    %dma_start3A_74 = arith.constant 384 : i32
    %dma_start3A_75 = arith.constant 0 : i32
    %dma_start3A_76 = tpu.memref_slice %arg12[%dma_start3A_74, %dma_start3A_75] : memref<512x64xf32, #tpu.memory_space<vmem>> -> memref<128x64xf32, #tpu.memory_space<vmem>>
    %dma_start3A_77 = arith.constant 384 : i32
    %dma_start3A_78 = tpu.memref_slice %arg9[%dma_start3A_77] : memref<512xi32, #tpu.memory_space<vmem>> -> memref<128xi32, #tpu.memory_space<vmem>>
    %dma_start3A_79 = arith.constant 0 : i32
    %dma_start3A_80 = arith.constant 0 : i32
    %dma_start3A_81 = tpu.memref_slice %arg5[%dma_start3A_79, %dma_start3A_80] : memref<1000000x64xf32, #tpu.memory_space<hbm>> -> memref<1000000x64xf32, #tpu.memory_space<hbm>>
    tpu.enqueue_indirect_dma source(%dma_start3A_81 : memref<1000000x64xf32, #tpu.memory_space<hbm>>) target(%dma_start3A_76 : memref<128x64xf32, #tpu.memory_space<vmem>>) offsets(%dma_start3A_78 : memref<128xi32, #tpu.memory_space<vmem>>) semaphore(%arg17 : memref<!tpu.dma_semaphore, #tpu.memory_space<semaphore_mem>>)
    %dma_start3A_82 = arith.constant 384 : i32
    %dma_start3A_83 = arith.constant 0 : i32
    %dma_start3A_84 = tpu.memref_slice %arg13[%dma_start3A_82, %dma_start3A_83] : memref<512x64xf32, #tpu.memory_space<vmem>> -> memref<128x64xf32, #tpu.memory_space<vmem>>
    %dma_start3A_85 = arith.constant 384 : i32
    %dma_start3A_86 = tpu.memref_slice %arg10[%dma_start3A_85] : memref<512xi32, #tpu.memory_space<vmem>> -> memref<128xi32, #tpu.memory_space<vmem>>
    %dma_start3A_87 = arith.constant 0 : i32
    %dma_start3A_88 = arith.constant 0 : i32
    %dma_start3A_89 = tpu.memref_slice %arg6[%dma_start3A_87, %dma_start3A_88] : memref<1000000x64xf32, #tpu.memory_space<hbm>> -> memref<1000000x64xf32, #tpu.memory_space<hbm>>
    tpu.enqueue_indirect_dma source(%dma_start3A_89 : memref<1000000x64xf32, #tpu.memory_space<hbm>>) target(%dma_start3A_84 : memref<128x64xf32, #tpu.memory_space<vmem>>) offsets(%dma_start3A_86 : memref<128xi32, #tpu.memory_space<vmem>>) semaphore(%arg17 : memref<!tpu.dma_semaphore, #tpu.memory_space<semaphore_mem>>)
    %dma_start3A_90 = arith.constant 384 : i32
    %dma_start3A_91 = arith.constant 0 : i32
    %dma_start3A_92 = tpu.memref_slice %arg14[%dma_start3A_90, %dma_start3A_91] : memref<512x64xf32, #tpu.memory_space<vmem>> -> memref<128x64xf32, #tpu.memory_space<vmem>>
    %dma_start3A_93 = arith.constant 384 : i32
    %dma_start3A_94 = tpu.memref_slice %arg11[%dma_start3A_93] : memref<512xi32, #tpu.memory_space<vmem>> -> memref<128xi32, #tpu.memory_space<vmem>>
    %dma_start3A_95 = arith.constant 0 : i32
    %dma_start3A_96 = arith.constant 0 : i32
    %dma_start3A_97 = tpu.memref_slice %arg6[%dma_start3A_95, %dma_start3A_96] : memref<1000000x64xf32, #tpu.memory_space<hbm>> -> memref<1000000x64xf32, #tpu.memory_space<hbm>>
    tpu.enqueue_indirect_dma source(%dma_start3A_97 : memref<1000000x64xf32, #tpu.memory_space<hbm>>) target(%dma_start3A_92 : memref<128x64xf32, #tpu.memory_space<vmem>>) offsets(%dma_start3A_94 : memref<128xi32, #tpu.memory_space<vmem>>) semaphore(%arg17 : memref<!tpu.dma_semaphore, #tpu.memory_space<semaphore_mem>>)
    %dma_wait3A = arith.constant 0 : i32
    %dma_wait3A_98 = arith.constant 0 : i32
    %dma_wait3A_99 = tpu.memref_slice %arg12[%dma_wait3A, %dma_wait3A_98] : memref<512x64xf32, #tpu.memory_space<vmem>> -> memref<128x64xf32, #tpu.memory_space<vmem>>
    %dma_wait3A_100 = arith.constant 0 : i32
    %dma_wait3A_101 = tpu.memref_slice %arg9[%dma_wait3A_100] : memref<512xi32, #tpu.memory_space<vmem>> -> memref<128xi32, #tpu.memory_space<vmem>>
    %dma_wait3A_102 = arith.constant 0 : i32
    %dma_wait3A_103 = arith.constant 0 : i32
    %dma_wait3A_104 = tpu.memref_slice %arg5[%dma_wait3A_102, %dma_wait3A_103] : memref<1000000x64xf32, #tpu.memory_space<hbm>> -> memref<1000000x64xf32, #tpu.memory_space<hbm>>
    tpu.wait_indirect_dma semaphore(%arg17 : memref<!tpu.dma_semaphore, #tpu.memory_space<semaphore_mem>>) src(%dma_wait3A_104 : memref<1000000x64xf32, #tpu.memory_space<hbm>>) dst(%dma_wait3A_99 : memref<128x64xf32, #tpu.memory_space<vmem>>)
    %dma_wait3A_105 = arith.constant 0 : i32
    %dma_wait3A_106 = arith.constant 0 : i32
    %dma_wait3A_107 = tpu.memref_slice %arg13[%dma_wait3A_105, %dma_wait3A_106] : memref<512x64xf32, #tpu.memory_space<vmem>> -> memref<128x64xf32, #tpu.memory_space<vmem>>
    %dma_wait3A_108 = arith.constant 0 : i32
    %dma_wait3A_109 = tpu.memref_slice %arg10[%dma_wait3A_108] : memref<512xi32, #tpu.memory_space<vmem>> -> memref<128xi32, #tpu.memory_space<vmem>>
    %dma_wait3A_110 = arith.constant 0 : i32
    %dma_wait3A_111 = arith.constant 0 : i32
    %dma_wait3A_112 = tpu.memref_slice %arg6[%dma_wait3A_110, %dma_wait3A_111] : memref<1000000x64xf32, #tpu.memory_space<hbm>> -> memref<1000000x64xf32, #tpu.memory_space<hbm>>
    tpu.wait_indirect_dma semaphore(%arg17 : memref<!tpu.dma_semaphore, #tpu.memory_space<semaphore_mem>>) src(%dma_wait3A_112 : memref<1000000x64xf32, #tpu.memory_space<hbm>>) dst(%dma_wait3A_107 : memref<128x64xf32, #tpu.memory_space<vmem>>)
    %dma_wait3A_113 = arith.constant 0 : i32
    %dma_wait3A_114 = arith.constant 0 : i32
    %dma_wait3A_115 = tpu.memref_slice %arg14[%dma_wait3A_113, %dma_wait3A_114] : memref<512x64xf32, #tpu.memory_space<vmem>> -> memref<128x64xf32, #tpu.memory_space<vmem>>
    %dma_wait3A_116 = arith.constant 0 : i32
    %dma_wait3A_117 = tpu.memref_slice %arg11[%dma_wait3A_116] : memref<512xi32, #tpu.memory_space<vmem>> -> memref<128xi32, #tpu.memory_space<vmem>>
    %dma_wait3A_118 = arith.constant 0 : i32
    %dma_wait3A_119 = arith.constant 0 : i32
    %dma_wait3A_120 = tpu.memref_slice %arg6[%dma_wait3A_118, %dma_wait3A_119] : memref<1000000x64xf32, #tpu.memory_space<hbm>> -> memref<1000000x64xf32, #tpu.memory_space<hbm>>
    tpu.wait_indirect_dma semaphore(%arg17 : memref<!tpu.dma_semaphore, #tpu.memory_space<semaphore_mem>>) src(%dma_wait3A_120 : memref<1000000x64xf32, #tpu.memory_space<hbm>>) dst(%dma_wait3A_115 : memref<128x64xf32, #tpu.memory_space<vmem>>)
    %dma_wait3A_121 = arith.constant 128 : i32
    %dma_wait3A_122 = arith.constant 0 : i32
    %dma_wait3A_123 = tpu.memref_slice %arg12[%dma_wait3A_121, %dma_wait3A_122] : memref<512x64xf32, #tpu.memory_space<vmem>> -> memref<128x64xf32, #tpu.memory_space<vmem>>
    %dma_wait3A_124 = arith.constant 128 : i32
    %dma_wait3A_125 = tpu.memref_slice %arg9[%dma_wait3A_124] : memref<512xi32, #tpu.memory_space<vmem>> -> memref<128xi32, #tpu.memory_space<vmem>>
    %dma_wait3A_126 = arith.constant 0 : i32
    %dma_wait3A_127 = arith.constant 0 : i32
    %dma_wait3A_128 = tpu.memref_slice %arg5[%dma_wait3A_126, %dma_wait3A_127] : memref<1000000x64xf32, #tpu.memory_space<hbm>> -> memref<1000000x64xf32, #tpu.memory_space<hbm>>
    tpu.wait_indirect_dma semaphore(%arg17 : memref<!tpu.dma_semaphore, #tpu.memory_space<semaphore_mem>>) src(%dma_wait3A_128 : memref<1000000x64xf32, #tpu.memory_space<hbm>>) dst(%dma_wait3A_123 : memref<128x64xf32, #tpu.memory_space<vmem>>)
    %dma_wait3A_129 = arith.constant 128 : i32
    %dma_wait3A_130 = arith.constant 0 : i32
    %dma_wait3A_131 = tpu.memref_slice %arg13[%dma_wait3A_129, %dma_wait3A_130] : memref<512x64xf32, #tpu.memory_space<vmem>> -> memref<128x64xf32, #tpu.memory_space<vmem>>
    %dma_wait3A_132 = arith.constant 128 : i32
    %dma_wait3A_133 = tpu.memref_slice %arg10[%dma_wait3A_132] : memref<512xi32, #tpu.memory_space<vmem>> -> memref<128xi32, #tpu.memory_space<vmem>>
    %dma_wait3A_134 = arith.constant 0 : i32
    %dma_wait3A_135 = arith.constant 0 : i32
    %dma_wait3A_136 = tpu.memref_slice %arg6[%dma_wait3A_134, %dma_wait3A_135] : memref<1000000x64xf32, #tpu.memory_space<hbm>> -> memref<1000000x64xf32, #tpu.memory_space<hbm>>
    tpu.wait_indirect_dma semaphore(%arg17 : memref<!tpu.dma_semaphore, #tpu.memory_space<semaphore_mem>>) src(%dma_wait3A_136 : memref<1000000x64xf32, #tpu.memory_space<hbm>>) dst(%dma_wait3A_131 : memref<128x64xf32, #tpu.memory_space<vmem>>)
    %dma_wait3A_137 = arith.constant 128 : i32
    %dma_wait3A_138 = arith.constant 0 : i32
    %dma_wait3A_139 = tpu.memref_slice %arg14[%dma_wait3A_137, %dma_wait3A_138] : memref<512x64xf32, #tpu.memory_space<vmem>> -> memref<128x64xf32, #tpu.memory_space<vmem>>
    %dma_wait3A_140 = arith.constant 128 : i32
    %dma_wait3A_141 = tpu.memref_slice %arg11[%dma_wait3A_140] : memref<512xi32, #tpu.memory_space<vmem>> -> memref<128xi32, #tpu.memory_space<vmem>>
    %dma_wait3A_142 = arith.constant 0 : i32
    %dma_wait3A_143 = arith.constant 0 : i32
    %dma_wait3A_144 = tpu.memref_slice %arg6[%dma_wait3A_142, %dma_wait3A_143] : memref<1000000x64xf32, #tpu.memory_space<hbm>> -> memref<1000000x64xf32, #tpu.memory_space<hbm>>
    tpu.wait_indirect_dma semaphore(%arg17 : memref<!tpu.dma_semaphore, #tpu.memory_space<semaphore_mem>>) src(%dma_wait3A_144 : memref<1000000x64xf32, #tpu.memory_space<hbm>>) dst(%dma_wait3A_139 : memref<128x64xf32, #tpu.memory_space<vmem>>)
    %dma_wait3A_145 = arith.constant 256 : i32
    %dma_wait3A_146 = arith.constant 0 : i32
    %dma_wait3A_147 = tpu.memref_slice %arg12[%dma_wait3A_145, %dma_wait3A_146] : memref<512x64xf32, #tpu.memory_space<vmem>> -> memref<128x64xf32, #tpu.memory_space<vmem>>
    %dma_wait3A_148 = arith.constant 256 : i32
    %dma_wait3A_149 = tpu.memref_slice %arg9[%dma_wait3A_148] : memref<512xi32, #tpu.memory_space<vmem>> -> memref<128xi32, #tpu.memory_space<vmem>>
    %dma_wait3A_150 = arith.constant 0 : i32
    %dma_wait3A_151 = arith.constant 0 : i32
    %dma_wait3A_152 = tpu.memref_slice %arg5[%dma_wait3A_150, %dma_wait3A_151] : memref<1000000x64xf32, #tpu.memory_space<hbm>> -> memref<1000000x64xf32, #tpu.memory_space<hbm>>
    tpu.wait_indirect_dma semaphore(%arg17 : memref<!tpu.dma_semaphore, #tpu.memory_space<semaphore_mem>>) src(%dma_wait3A_152 : memref<1000000x64xf32, #tpu.memory_space<hbm>>) dst(%dma_wait3A_147 : memref<128x64xf32, #tpu.memory_space<vmem>>)
    %dma_wait3A_153 = arith.constant 256 : i32
    %dma_wait3A_154 = arith.constant 0 : i32
    %dma_wait3A_155 = tpu.memref_slice %arg13[%dma_wait3A_153, %dma_wait3A_154] : memref<512x64xf32, #tpu.memory_space<vmem>> -> memref<128x64xf32, #tpu.memory_space<vmem>>
    %dma_wait3A_156 = arith.constant 256 : i32
    %dma_wait3A_157 = tpu.memref_slice %arg10[%dma_wait3A_156] : memref<512xi32, #tpu.memory_space<vmem>> -> memref<128xi32, #tpu.memory_space<vmem>>
    %dma_wait3A_158 = arith.constant 0 : i32
    %dma_wait3A_159 = arith.constant 0 : i32
    %dma_wait3A_160 = tpu.memref_slice %arg6[%dma_wait3A_158, %dma_wait3A_159] : memref<1000000x64xf32, #tpu.memory_space<hbm>> -> memref<1000000x64xf32, #tpu.memory_space<hbm>>
    tpu.wait_indirect_dma semaphore(%arg17 : memref<!tpu.dma_semaphore, #tpu.memory_space<semaphore_mem>>) src(%dma_wait3A_160 : memref<1000000x64xf32, #tpu.memory_space<hbm>>) dst(%dma_wait3A_155 : memref<128x64xf32, #tpu.memory_space<vmem>>)
    %dma_wait3A_161 = arith.constant 256 : i32
    %dma_wait3A_162 = arith.constant 0 : i32
    %dma_wait3A_163 = tpu.memref_slice %arg14[%dma_wait3A_161, %dma_wait3A_162] : memref<512x64xf32, #tpu.memory_space<vmem>> -> memref<128x64xf32, #tpu.memory_space<vmem>>
    %dma_wait3A_164 = arith.constant 256 : i32
    %dma_wait3A_165 = tpu.memref_slice %arg11[%dma_wait3A_164] : memref<512xi32, #tpu.memory_space<vmem>> -> memref<128xi32, #tpu.memory_space<vmem>>
    %dma_wait3A_166 = arith.constant 0 : i32
    %dma_wait3A_167 = arith.constant 0 : i32
    %dma_wait3A_168 = tpu.memref_slice %arg6[%dma_wait3A_166, %dma_wait3A_167] : memref<1000000x64xf32, #tpu.memory_space<hbm>> -> memref<1000000x64xf32, #tpu.memory_space<hbm>>
    tpu.wait_indirect_dma semaphore(%arg17 : memref<!tpu.dma_semaphore, #tpu.memory_space<semaphore_mem>>) src(%dma_wait3A_168 : memref<1000000x64xf32, #tpu.memory_space<hbm>>) dst(%dma_wait3A_163 : memref<128x64xf32, #tpu.memory_space<vmem>>)
    %dma_wait3A_169 = arith.constant 384 : i32
    %dma_wait3A_170 = arith.constant 0 : i32
    %dma_wait3A_171 = tpu.memref_slice %arg12[%dma_wait3A_169, %dma_wait3A_170] : memref<512x64xf32, #tpu.memory_space<vmem>> -> memref<128x64xf32, #tpu.memory_space<vmem>>
    %dma_wait3A_172 = arith.constant 384 : i32
    %dma_wait3A_173 = tpu.memref_slice %arg9[%dma_wait3A_172] : memref<512xi32, #tpu.memory_space<vmem>> -> memref<128xi32, #tpu.memory_space<vmem>>
    %dma_wait3A_174 = arith.constant 0 : i32
    %dma_wait3A_175 = arith.constant 0 : i32
    %dma_wait3A_176 = tpu.memref_slice %arg5[%dma_wait3A_174, %dma_wait3A_175] : memref<1000000x64xf32, #tpu.memory_space<hbm>> -> memref<1000000x64xf32, #tpu.memory_space<hbm>>
    tpu.wait_indirect_dma semaphore(%arg17 : memref<!tpu.dma_semaphore, #tpu.memory_space<semaphore_mem>>) src(%dma_wait3A_176 : memref<1000000x64xf32, #tpu.memory_space<hbm>>) dst(%dma_wait3A_171 : memref<128x64xf32, #tpu.memory_space<vmem>>)
    %dma_wait3A_177 = arith.constant 384 : i32
    %dma_wait3A_178 = arith.constant 0 : i32
    %dma_wait3A_179 = tpu.memref_slice %arg13[%dma_wait3A_177, %dma_wait3A_178] : memref<512x64xf32, #tpu.memory_space<vmem>> -> memref<128x64xf32, #tpu.memory_space<vmem>>
    %dma_wait3A_180 = arith.constant 384 : i32
    %dma_wait3A_181 = tpu.memref_slice %arg10[%dma_wait3A_180] : memref<512xi32, #tpu.memory_space<vmem>> -> memref<128xi32, #tpu.memory_space<vmem>>
    %dma_wait3A_182 = arith.constant 0 : i32
    %dma_wait3A_183 = arith.constant 0 : i32
    %dma_wait3A_184 = tpu.memref_slice %arg6[%dma_wait3A_182, %dma_wait3A_183] : memref<1000000x64xf32, #tpu.memory_space<hbm>> -> memref<1000000x64xf32, #tpu.memory_space<hbm>>
    tpu.wait_indirect_dma semaphore(%arg17 : memref<!tpu.dma_semaphore, #tpu.memory_space<semaphore_mem>>) src(%dma_wait3A_184 : memref<1000000x64xf32, #tpu.memory_space<hbm>>) dst(%dma_wait3A_179 : memref<128x64xf32, #tpu.memory_space<vmem>>)
    %dma_wait3A_185 = arith.constant 384 : i32
    %dma_wait3A_186 = arith.constant 0 : i32
    %dma_wait3A_187 = tpu.memref_slice %arg14[%dma_wait3A_185, %dma_wait3A_186] : memref<512x64xf32, #tpu.memory_space<vmem>> -> memref<128x64xf32, #tpu.memory_space<vmem>>
    %dma_wait3A_188 = arith.constant 384 : i32
    %dma_wait3A_189 = tpu.memref_slice %arg11[%dma_wait3A_188] : memref<512xi32, #tpu.memory_space<vmem>> -> memref<128xi32, #tpu.memory_space<vmem>>
    %dma_wait3A_190 = arith.constant 0 : i32
    %dma_wait3A_191 = arith.constant 0 : i32
    %dma_wait3A_192 = tpu.memref_slice %arg6[%dma_wait3A_190, %dma_wait3A_191] : memref<1000000x64xf32, #tpu.memory_space<hbm>> -> memref<1000000x64xf32, #tpu.memory_space<hbm>>
    tpu.wait_indirect_dma semaphore(%arg17 : memref<!tpu.dma_semaphore, #tpu.memory_space<semaphore_mem>>) src(%dma_wait3A_192 : memref<1000000x64xf32, #tpu.memory_space<hbm>>) dst(%dma_wait3A_187 : memref<128x64xf32, #tpu.memory_space<vmem>>)
    %scan3A = arith.constant 0 : i32
    %scan3A_193 = arith.constant 0 : i32
    %scan3A_194 = arith.constant 32 : i32
    %scan3A_195 = arith.addi %scan3A_193, %scan3A_194 : i32
    %scan3A_196 = arith.constant 1 : i32
    scf.for %scan3A_198 = %scan3A_193 to %scan3A_195 step %scan3A_196  : i32 {
      %mul3A_199 = arith.constant 16 : i32
      %mul3A_200 = arith.muli %scan3A_198, %mul3A_199 : i32
      %iota3A = tpu.iota {dimensions = array<i32: 0>} : vector<16xi32>
      %add3A_201 = vector.broadcast %mul3A_200 : i32 to vector<16xi32>
      %add3A_202 = arith.addi %add3A_201, %iota3A : vector<16xi32>
      %broadcast_in_dim3A = arith.constant 0.000000e+00 : f32
      %broadcast_in_dim3A_203 = vector.broadcast %broadcast_in_dim3A : f32 to vector<16xf32>
      %scan3A_204 = arith.constant 0 : i32
      %scan3A_205 = arith.constant 64 : i32
      %scan3A_206 = arith.addi %scan3A_204, %scan3A_205 : i32
      %scan3A_207 = arith.constant 1 : i32
      %scan3A_208:2 = scf.for %scan3A_217 = %scan3A_204 to %scan3A_206 step %scan3A_207 iter_args(%scan3A_218 = %broadcast_in_dim3A_203, %scan3A_219 = %broadcast_in_dim3A_203) -> (vector<16xf32>, vector<16xf32>)  : i32 {
        %broadcast_in_dim3A_220 = vector.broadcast %scan3A_217 : i32 to vector<16xi32>
        %gather3A = tpu.vector_load_idx %arg12[%add3A_202, %broadcast_in_dim3A_220] : memref<512x64xf32, #tpu.memory_space<vmem>>[vector<16xi32>, vector<16xi32>], vector<16xf32>,
        %gather3A_221 = tpu.vector_load_idx %arg13[%add3A_202, %broadcast_in_dim3A_220] : memref<512x64xf32, #tpu.memory_space<vmem>>[vector<16xi32>, vector<16xi32>], vector<16xf32>,
        %gather3A_222 = tpu.vector_load_idx %arg14[%add3A_202, %broadcast_in_dim3A_220] : memref<512x64xf32, #tpu.memory_space<vmem>>[vector<16xi32>, vector<16xi32>], vector<16xf32>,
        %mul3A_223 = arith.mulf %gather3A, %gather3A_221 : vector<16xf32>
        %add3A_224 = arith.addf %scan3A_218, %mul3A_223 : vector<16xf32>
        %mul3A_225 = arith.mulf %gather3A, %gather3A_222 : vector<16xf32>
        %add3A_226 = arith.addf %scan3A_219, %mul3A_225 : vector<16xf32>
        scf.yield %add3A_224, %add3A_226 : vector<16xf32>, vector<16xf32>
      }
      %scan3A_209 = arith.constant 64 : i32
      %mul3A_210 = arith.constant 16 : i32
      %mul3A_211 = arith.muli %scan3A_198, %mul3A_210 : i32
      %swap3A = arith.index_cast %mul3A_211 : i32 to index
      %swap3A_212 = tpu.vector_load %arg15[%swap3A] {strides = array<i32>} : memref<512xf32, #tpu.memory_space<vmem>>, vector<16xf32>,
      tpu.vector_store %arg15[%swap3A], %scan3A_208#0 {strides = array<i32>} : memref<512xf32, #tpu.memory_space<vmem>>, vector<16xf32>,
      %mul3A_213 = arith.constant 16 : i32
      %mul3A_214 = arith.muli %scan3A_198, %mul3A_213 : i32
      %swap3A_215 = arith.index_cast %mul3A_214 : i32 to index
      %swap3A_216 = tpu.vector_load %arg16[%swap3A_215] {strides = array<i32>} : memref<512xf32, #tpu.memory_space<vmem>>, vector<16xf32>,
      tpu.vector_store %arg16[%swap3A_215], %scan3A_208#1 {strides = array<i32>} : memref<512xf32, #tpu.memory_space<vmem>>, vector<16xf32>,
    }
    %scan3A_197 = arith.constant 32 : i32
    "tpu.region"() ({
      %run_scoped3A = tpu.sem_alloc : memref<!tpu.dma_semaphore, #tpu.memory_space<semaphore_mem>>
      %dma_start3A_198 = tpu.memref_slice %arg7[%mul3A_2] : memref<16384xf32, #tpu.memory_space<hbm>> -> memref<512xf32, #tpu.memory_space<hbm>>
      %dma_start3A_199 = tpu.memref_slice %arg7[%mul3A_2] : memref<16384xf32, #tpu.memory_space<hbm>> -> memref<512xf32, #tpu.memory_space<hbm>>
      tpu.enqueue_dma source(%arg15 : memref<512xf32, #tpu.memory_space<vmem>>) target(%dma_start3A_199 : memref<512xf32, #tpu.memory_space<hbm>>) target_semaphore(%run_scoped3A : memref<!tpu.dma_semaphore, #tpu.memory_space<semaphore_mem>>)
      %dma_wait3A_200 = tpu.memref_slice %arg7[%mul3A_2] : memref<16384xf32, #tpu.memory_space<hbm>> -> memref<512xf32, #tpu.memory_space<hbm>>
      %dma_wait3A_201 = tpu.memref_slice %arg7[%mul3A_2] : memref<16384xf32, #tpu.memory_space<hbm>> -> memref<512xf32, #tpu.memory_space<hbm>>
      tpu.wait_dma2 semaphore(%run_scoped3A : memref<!tpu.dma_semaphore, #tpu.memory_space<semaphore_mem>>) src(%arg15 : memref<512xf32, #tpu.memory_space<vmem>>) dst(%dma_wait3A_201 : memref<512xf32, #tpu.memory_space<hbm>>)
      tpu.yield
    }) : () -> ()
    "tpu.region"() ({
      %run_scoped3A = tpu.sem_alloc : memref<!tpu.dma_semaphore, #tpu.memory_space<semaphore_mem>>
      %dma_start3A_198 = tpu.memref_slice %arg8[%mul3A_2] : memref<16384xf32, #tpu.memory_space<hbm>> -> memref<512xf32, #tpu.memory_space<hbm>>
      %dma_start3A_199 = tpu.memref_slice %arg8[%mul3A_2] : memref<16384xf32, #tpu.memory_space<hbm>> -> memref<512xf32, #tpu.memory_space<hbm>>
      tpu.enqueue_dma source(%arg16 : memref<512xf32, #tpu.memory_space<vmem>>) target(%dma_start3A_199 : memref<512xf32, #tpu.memory_space<hbm>>) target_semaphore(%run_scoped3A : memref<!tpu.dma_semaphore, #tpu.memory_space<semaphore_mem>>)
      %dma_wait3A_200 = tpu.memref_slice %arg8[%mul3A_2] : memref<16384xf32, #tpu.memory_space<hbm>> -> memref<512xf32, #tpu.memory_space<hbm>>
      %dma_wait3A_201 = tpu.memref_slice %arg8[%mul3A_2] : memref<16384xf32, #tpu.memory_space<hbm>> -> memref<512xf32, #tpu.memory_space<hbm>>
      tpu.wait_dma2 semaphore(%run_scoped3A : memref<!tpu.dma_semaphore, #tpu.memory_space<semaphore_mem>>) src(%arg16 : memref<512xf32, #tpu.memory_space<vmem>>) dst(%dma_wait3A_201 : memref<512xf32, #tpu.memory_space<hbm>>)
      tpu.yield
    }) : () -> ()
    return
  }
}

</mosaic_0001>

<sc_bundles>
// kernel: kernel.3.cloned.1.call-start
scs
__scs_entry_jumppad:
0x0: {  	(pc) =	sbr.rel $0x88, $3  }
0x1: {  	(tag) =	ssettag $0x0;
	lr =	simm.s32 $0x1  }
0x2: {  	[smem:$0x3F9C] =	sst lr;
	_ =	strace $0xD0000000  }
0x3: {  	_ = 	snop  }
0x4: {  	_ = 	snop  }
0x5: {  	_ = 	snop  }
0x6: {  	_ = 	snop  }
0x7: {  	_ = 	snop  }
__scs_overlays_trampoline_lowered:
0x8: {  	[smem:$0x3FAB] =	sst s0  }
0x9: {  	[smem:$0x3FAC] =	sst s1  }
0xa: {  	[smem:$0x3FAD] =	sst s2  }
0xb: {  	[smem:$0x3FAE] =	sst s3  }
0xc: {  	[smem:$0x3FAF] =	sst s4  }
0xd: {  	[smem:$0x3FB0] =	sst s5  }
0xe: {  	[smem:$0x3FB1] =	sst s6  }
0xf: {  	[smem:$0x3FB2] =	sst s7  }
0x10: {  	[smem:$0x3FB3] =	sst s8  }
0x11: {  	[smem:$0x3FB4] =	sst s9;
	s0 =	simm.s32 @!p0 $0x0  }
0x12: {  	s1 =	sld [smem:$0x3F9A];
	s0 =	simm.s32 @p0 $0x1  }
0x13: {  	[smem:$0x3FB5] =	sst s0;
	s0 =	simm.s32 @!p1 $0x0  }
0x14: {  	s2 =	sld [smem:$0x3F99];
	s0 =	simm.s32 @p1 $0x1  }
0x15: {  	[smem:$0x3FB6] =	sst s0;
	s0 =	simm.s32 @!p2 $0x0  }
0x16: {  	s3 =	sld [smem:$0x3FDB];
	s0 =	simm.s32 @p2 $0x1  }
0x17: {  	s4 =	simm.s32 $0x1BF5;
	[smem:$0x3FB8] =	sst s0  }
0x18: {  	s0 =	sld [smem:$0x3F9B];
	_ =	swait.ge [sflag:s4], $0x0  }
0x19: {  	s7 =	sld [smem:$0x3F9C]  }
0x1a: {  	s8 =	sadd.s32 $0xFFFFE003, lr  }
0x1b: {  	s9 =	sadd.s32 $0xFFFFFEF7, lr;
	s5 =	simm.s32 $0xFFFFFFFF;
	p2 =	slt.u32 s8, $0xFFFFF086  }
0x1c: {  	p1 =	slt.u32 s9, $0xF7A;
	s5 =	simm.s32 @!p2 $0x0  }
0x1d: {  	s5 =	simm.s32 @p1 $0x1;
	p0 =	seq.s32 s7, s2  }
0x1e: {  	s7 =	smul.u32 @!p0 $0xF7A, s2;
	p2 =	seq.s32 @!p0 s5, $0x0  }
0x1f: {  	s9 =	smul.u32 $0xF7A, s1;
	s8 =	simm.s32 @!p0 $0x1BF5;
	p2 =	por !p2, p0  }
0x20: {  	[sflag:s8] =	ssyncset.s32 @!p0 $0xFFFFF086;
	s6 =	sadd.s32 @!p0 s3, s7;
	s7 =	simm.s32 @!p0 $0x108  }
0x21: {  	s3 =	sadd.s32 s3, s9;
	s6 =	sadd.s32 @!p0 $0x88, s6;
	s7 =	simm.s32 @p2 $0x1082  }
0x22: {  	[simem:s7], [sflag:s8] =	dma.local @!p0 [hbm:s6], $0xF7A  }
0x23: {  	s9 =	sor.u32 $0xD0000000, s2;
	s6 =	simm.s32 $0x108;
	_ =	swait.ge @!p0 [sflag:s8], $0x0  }
0x24: {  	s3 =	sadd.s32 $0x88, s3;
	s6 =	simm.s32 @!p1 $0x1082;
	[sflag:s4] =	ssyncset.s32 $0xFFFFF086  }
0x25: {  	[simem:s6], [sflag:s4] =	dma.local [hbm:s3], $0xF7A  }
0x26: {  	[smem:$0x3F9C] =	sst s1;
	(tag) =	ssettag s2;
	_ =	strace s9  }
0x27: {  	s1 =	sld [smem:$0x3FAC]  }
0x28: {  	s2 =	sld [smem:$0x3FAD]  }
0x29: {  	s4 =	sld [smem:$0x3FAF]  }
0x2a: {  	p0 =	seq.s32 s5, $0x0;
	s5 =	sld [smem:$0x3FB0]  }
0x2b: {  	s6 =	sld [smem:$0x3FB1]  }
0x2c: {  	s7 =	sld [smem:$0x3FB2]  }
0x2d: {  	s3 =	simm.s32 $0x108;
	s8 =	sld [smem:$0x3FB3]  }
0x2e: {  	s3 =	simm.s32 @!p0 $0x1082;
	s9 =	sld [smem:$0x3FB4]  }
0x2f: {  	lr =	sadd.s32 s0, s3;
	s0 =	sld [smem:$0x3FAB]  }
0x30: {  	s3 =	sld [smem:$0x3FAE]  }
0x31: {  	[smem:$0x3FB7] =	sst s10  }
0x32: {  	s10 =	sld [smem:$0x3FB5];
	_ =	sdelay $0x3  }
0x33: {  	p0 =	seq.s32 s10, $0x1;
	s10 =	sld [smem:$0x3FB7];
	_ =	sdelay $0x3  }
0x34: {  	[smem:$0x3FB7] =	sst s10  }
0x35: {  	s10 =	sld [smem:$0x3FB6];
	_ =	sdelay $0x3  }
0x36: {  	p1 =	seq.s32 s10, $0x1;
	s10 =	sld [smem:$0x3FB7];
	_ =	sdelay $0x3  }
0x37: {  	[smem:$0x3FB7] =	sst s10  }
0x38: {  	s10 =	sld [smem:$0x3FB8]  }
0x39: {  	_ = 	snop;
	(pc) =	sbr.ind lr, $3  }
0x3a: {  	_ = 	snop  }
0x3b: {  	_ = 	snop  }
0x3c: {  	p2 =	seq.s32 s10, $0x1;
	s10 =	sld [smem:$0x3FB7]  }
0x3d: {  	_ =	shalt  }
0x3e: {  	_ =	shalt  }
0x3f: {  	_ =	shalt  }
0x40: {  	_ =	shalt  }
0x41: {  	_ =	shalt  }
0x42: {  	_ =	shalt  }
0x43: {  	_ =	shalt  }
0x44: {  	_ =	shalt  }
0x45: {  	_ =	shalt  }
0x46: {  	_ =	shalt  }
0x47: {  	_ =	shalt  }
0x48: {  	_ =	shalt  }
0x49: {  	_ =	shalt  }
0x4a: {  	_ =	shalt  }
0x4b: {  	_ =	shalt  }
0x4c: {  	_ =	shalt  }
0x4d: {  	_ =	shalt  }
0x4e: {  	_ =	shalt  }
0x4f: {  	_ =	shalt  }
0x50: {  	_ =	shalt  }
0x51: {  	_ =	shalt  }
0x52: {  	_ =	shalt  }
0x53: {  	_ =	shalt  }
0x54: {  	_ =	shalt  }
0x55: {  	_ =	shalt  }
0x56: {  	_ =	shalt  }
0x57: {  	_ =	shalt  }
0x58: {  	_ =	shalt  }
0x59: {  	_ =	shalt  }
0x5a: {  	_ =	shalt  }
0x5b: {  	_ =	shalt  }
0x5c: {  	_ =	shalt  }
0x5d: {  	_ =	shalt  }
0x5e: {  	_ =	shalt  }
0x5f: {  	_ =	shalt  }
0x60: {  	_ =	shalt  }
0x61: {  	_ =	shalt  }
0x62: {  	_ =	shalt  }
0x63: {  	_ =	shalt  }
0x64: {  	_ =	shalt  }
0x65: {  	_ =	shalt  }
0x66: {  	_ =	shalt  }
0x67: {  	_ =	shalt  }
0x68: {  	_ =	shalt  }
0x69: {  	_ =	shalt  }
0x6a: {  	_ =	shalt  }
0x6b: {  	_ =	shalt  }
0x6c: {  	_ =	shalt  }
0x6d: {  	_ =	shalt  }
0x6e: {  	_ =	shalt  }
0x6f: {  	_ =	shalt  }
0x70: {  	_ =	shalt  }
0x71: {  	_ =	shalt  }
0x72: {  	_ =	shalt  }
0x73: {  	_ =	shalt  }
0x74: {  	_ =	shalt  }
0x75: {  	_ =	shalt  }
0x76: {  	_ =	shalt  }
0x77: {  	_ =	shalt  }
0x78: {  	_ =	shalt  }
0x79: {  	_ =	shalt  }
0x7a: {  	_ =	shalt  }
0x7b: {  	_ =	shalt  }
0x7c: {  	_ =	shalt  }
0x7d: {  	_ =	shalt  }
0x7e: {  	_ =	shalt  }
0x7f: {  	_ =	shalt  }
0x80: {  	_ =	shalt  }
0x81: {  	_ =	shalt  }
0x82: {  	_ =	shalt  }
0x83: {  	_ =	shalt  }
0x84: {  	_ =	shalt  }
0x85: {  	_ =	shalt  }
0x86: {  	_ =	shalt  }
0x87: {  	_ =	shalt  }
.Lfunc_end0:
.L_simem_size_0:
called_computation_lowered:
.L_overlay_start_0:
0x88: {  	s2 =	sld [smem:$0x3FD9]  }
0x89: {  	s3 =	sld [smem:$0x3FFE];
	_ =	sdelay $0x1  }
0x8a: {  	s1 =	srdreg.scid  }
0x8b: {  	s0 =	sand.u32 $0x1, s1  }
0x8c: {  	s14 =	sshll.u32 s0, $0xA;
	s2 =	sadd.s32 s3, s2  }
0x8d: {  	s2 =	sadd.s32 s2, s14  }
0x8e: {  	[smem:$0x3FC3] =	sst s2  }
0x8f: {  	_ = 	snop  }
0x90: {  	s2 =	sld [smem:$0x3FD0]  }
0x91: {  	s15 =	sld [smem:$0x3FC9]  }
0x92: {  	s4 =	sld [smem:$0x3FC8]  }
0x93: {  	s6 =	simm.s32 $0xA;
	s7 =	simm.s32 $0x10;
	s5 =	sld [smem:$0x3FC7]  }
0x94: {  	[smem:s7], [sflag:s6] =	dma.local [hbm:s2], $0x1  }
0x95: {  	_ =	swait.eq [sflag:s6], $0x1  }
0x96: {  	[sflag:s6] =	ssyncset.done $0x0  }
0x97: {  	s16 =	sld [smem:$0x10];
	[sflag:s6] =	ssyncadd.s32 $0xFFFFFFFF  }
0x98: {  	s17 =	sld [smem:$0x11];
	(tm) =	ssettm $0x1  }
0x99: {  	s18 =	sld [smem:$0x3FFB];
	_ =	sdelay $0x3  }
0x9a: {  	_ =	strace s18  }
0x9b: {  	s7 =	sld [smem:$0x3FFC];
	_ =	sdelay $0x3  }
0x9c: {  	_ =	strace s7  }
0x9d: {  	s7 =	sld [smem:$0x3FFD];
	_ =	sdelay $0x3  }
0x9e: {  	_ =	strace s7  }
0x9f: {  	_ =	strace $0x8FFFFFFF  }
0xa0: {  	s19 =	sld [smem:$0x3FDB];
	_ =	sdelay $0x1  }
0xa1: {  	s8 =	simm.s32 $_scs_section_size  }
0xa2: {  	s9 =	simm.s32 $_size__tile_overlayer_lowered;
	s10 =	simm.s32 $_tile_overlayer_lowered  }
0xa3: {  	s22 =	simm.s32 $0x1BFF;
	s21 =	sshll.u32 s10, $0x1;
	s7 =	sadd.s32 s8, s19  }
0xa4: {  	s11 =	simm.s32 $0x0;
	s20 =	sshll.u32 s9, $0x1;
	s9 =	sadd.s32 s21, s7  }
0xa5: {  	[timem:s11], [sflag:s22] =	dma.local [hbm:s9], s20  }
0xa6: {  	_ =	swait.ge [sflag:s22], s20  }
0xa7: {  	s8 =	ssub.s32 $0x0, s20;
	[sflag:s22] =	ssyncset.done $0x0  }
0xa8: {  	[sflag:s22] =	ssyncadd.s32 s8;
	_ =	sdelay $0x1  }
0xa9: {  	s23 =	simm.s32 $0x1B8B  }
0xaa: {  	_ =	swait.ge [sflag:s23], $0x1  }
0xab: {  	[sflag:s23] =	ssyncset.done $0x0  }
0xac: {  	s25 =	simm.s32 $0x1B8E;
	s24 =	sld [smem:$0x3FFE];
	[sflag:s23] =	ssyncadd.s32 $0xFFFFFFFF  }
0xad: {  	s26 =	simm.s32 $execute0_lowered;
	[smem:$0x3FD2] =	sst s25  }
0xae: {  	s9 =	sshll.u32 s26, $0x1;
	_ =	strace $0x80000046;
	[dreg:$0x1] =	wrdreg $0xFFFFFFFF  }
0xaf: {  	s28 =	simm.s32 $_size_execute0_lowered;
	s7 =	sadd.s32 s7, s9;
	[dreg:$0x0] =	wrdreg $0x0  }
0xb0: {  	s9 =	sshll.u32 s28, $0x1;
	[dreg:$0x2] =	wrdreg s7  }
0xb1: {  	[dreg:$0x3] =	wrdreg s9  }
0xb2: {  	[dreg:$0x4] =	wrdreg $0xC0  }
0xb3: {  	_ =	task [dreg:s11], $0x5FFFF  }
0xb4: {  	[dreg:$0x1] =	wrdreg $0xFFFFFFFF  }
0xb5: {  	[dreg:$0x0] =	wrdreg $0x60  }
0xb6: {  	[dreg:$0x2] =	wrdreg s15  }
0xb7: {  	[dreg:$0x3] =	wrdreg s4  }
0xb8: {  	[dreg:$0x4] =	wrdreg s5  }
0xb9: {  	[dreg:$0x5] =	wrdreg s24  }
0xba: {  	[dreg:$0x6] =	wrdreg s16  }
0xbb: {  	[dreg:$0x7] =	wrdreg s17  }
0xbc: {  	[dreg:$0x8] =	wrdreg $0x9  }
0xbd: {  	_ =	task.clear_ibuf [dreg:s11], $0x9FFFF;
	_ =	strace $0x90000046  }
0xbe: {  	s29 =	simm.s32 $0x9;
	_ =	strace $0x80000048  }
0xbf: {  	_ =	swait.ge [sflag:s29], $0x1  }
0xc0: {  	[sflag:s29] =	ssyncadd.s32 $0xFFFFFFFF  }
0xc1: {  	_ =	strace $0x90000048  }
0xc2: {  	_ =	sfence  }
0xc3: {  	s30 =	sld [smem:$0x0];
	_ =	sdelay $0x2  }
0xc4: {  	s31 =	sshll.u32 s1, $0xD;
	s1 =	sshrl.u32 s1, $0x2  }
0xc5: {  	s3 =	sand.u32 $0x4000, s31;
	s1 =	sadd.s32 s1, s30  }
0xc6: {  	s0 =	sor.u32 s3, s0;
	s1 =	sshll.u32 s1, $0x11  }
0xc7: {  	s0 =	sor.u32 s1, s0  }
0xc8: {  	s0 =	sadd.s32 $0x8F2B, s0  }
0xc9: {  	[sflag:s0] =	ssyncadd.remote.s32 $0x1  }
0xca: {  	_ =	sfence.sel $0xFFFF  }
0xcb: {  	[dreg:$0x0] =	wrdreg $0xFFFFFFFF;
	(pc) =	sbr.abs _section_cstart, $3  }
0xcc: {  	[dreg:$0x1] =	wrdreg $0xFFFFFFFF  }
0xcd: {  	_ =	task.clear_ibuf [dreg:s11], $0x2FFFF;
	_ =	strace $0x9FFFFFFF  }
0xce: {  	(tm) =	ssettm $0x7FFFFFFF  }
0xcf: {  	_ =	shalt  }
tec
execute0_lowered:
.L_overlay_start_1:
0x0: {  	(tag) =	ssettag $0x1  }
0x1: {  	s0 =	rddreg [dreg:$0x0]  }
0x2: {  	s1 =	rddreg [dreg:$0x1]  }
0x3: {  	s7 =	rddreg [dreg:$0x2]  }
0x4: {  	s4 =	rddreg [dreg:$0x3]  }
0x5: {  	s8 =	rddreg [dreg:$0x4]  }
0x6: {  	s9 =	rddreg [dreg:$0x5]  }
0x7: {  	s2 =	simm.s32 $0x0;
	s3 =	srdreg.scid;
	s6 =	stileid.u32  }
0x8: {  	s12 =	simm.s32 $0x200;
	s13 =	simm.s32 $0x400;
	s14 =	simm.s32 $0x80  }
0x9: {  	s15 =	simm.s32 $0x600;
	s16 =	simm.s32 $0x8600;
	s17 =	simm.s32 $0x10600  }
0xa: {  	s28 =	simm.s32 $0x500;
	s29 =	simm.s32 $0x14600;
	s30 =	simm.s32 $0x180  }
0xb: {  	s31 =	simm.s32 $0x6600;
	s18 =	simm.s32 $0x580;
	s19 =	simm.s32 $0x16600  }
0xc: {  	s20 =	simm.s32 $0x1;
	s21 =	simm.s32 $0x18600;
	s22 =	simm.s32 $0x18800  }
0xd: {  	s23 =	simm.s32 $0x0;
	[smem:$0x7FF] =	sst s2;
	s3 =	sand.u32 $0x1, s3  }
0xe: {  	s6 =	sshll.u32 s6, $0x7;
	_ =	strace $0x80000047;
	s5 =	ssub.s32 $0x2, s3  }
0xf: {  	s10 =	sshll.u32 s3, $0x6;
	s3 =	sadd.s32 $0xF42C00, s4;
	s11 =	sshrl.u32 s5, $0x1  }
0x10: {  	s4 =	sadd.s32 $0x16E3E00, s4;
	s10 =	sor.u32 s10, s6;
	s11 =	ssub.s32 s5, s11  }
0x11: {  	s5 =	sadd.s32 s0, s10;
	s6 =	sadd.s32 s1, s10;
	s7 =	sadd.s32 s7, s10  }
0x12: {  	v0 =	vlaneseq.u32;
	s8 =	sadd.s32 s8, s10;
	s9 =	sadd.s32 s9, s10;
	s0 =	simm.s32 $0x380  }
0x13: {  	v0 =	vmul.u32 $0x40, v0;
	s1 =	simm.s32 $0xE600;
	s10 =	smax.u32 s11, $0x1;
	s11 =	simm.s32 $0x2  }
.LBB2_1:
0x14: {  	[tilespmem:s2], [sflag:$0x2] =	stream.linear.gather [hbm4b:s5+s2], $0x200, $0x38;
	[tilespmem:$0x18A00] =	vst v63  }
0x15: {  	_ =	swait.ge [sflag:s11], $0x200  }
0x16: {  	[sflag:s11] =	ssyncset.done $0x0  }
0x17: {  	[sflag:s11] =	ssyncadd.s32 $0xFFFFFE00  }
0x18: {  	[tilespmem:s12], [sflag:$0x2] =	stream.linear.gather [hbm4b:s6+s2], $0x200, $0x38;
	[tilespmem:$0x18A00] =	vst v63  }
0x19: {  	_ =	swait.ge [sflag:s11], $0x200  }
0x1a: {  	[sflag:s11] =	ssyncset.done $0x0  }
0x1b: {  	[sflag:s11] =	ssyncadd.s32 $0xFFFFFE00  }
0x1c: {  	[tilespmem:s13], [sflag:$0x2] =	stream.linear.gather [hbm4b:s7+s2], $0x200, $0x38;
	[tilespmem:$0x18A00] =	vst v63  }
0x1d: {  	_ =	swait.ge [sflag:s11], $0x200  }
0x1e: {  	[sflag:s11] =	ssyncset.done $0x0  }
0x1f: {  	[sflag:s11] =	ssyncadd.s32 $0xFFFFFE00  }
0x20: {  	[tilespmem:s15], [sflag:$0x1] =	stream.indirect.gather [hbm4b:s3+s14], $0x40, s2, s14, $0xb8;
	[tilespmem:$0x18A00] =	vst v63  }
0x21: {  	_ = 	snop  }
0x22: {  	[tilespmem:s16], [sflag:$0x1] =	stream.indirect.gather [hbm4b:s4+s14], $0x40, s12, s14, $0xb8;
	[tilespmem:$0x18A00] =	vst v63  }
0x23: {  	_ = 	snop  }
0x24: {  	[tilespmem:s17], [sflag:$0x1] =	stream.indirect.gather [hbm4b:s4+s14], $0x40, s13, s14, $0xb8;
	[tilespmem:$0x18A00] =	vst v63  }
0x25: {  	s24 =	simm.s32 $0x2600  }
0x26: {  	[tilespmem:s24], [sflag:$0x1] =	stream.indirect.gather [hbm4b:s3+s14], $0x40, s14, s14, $0xb8;
	[tilespmem:$0x18A00] =	vst v63  }
0x27: {  	s26 =	simm.s32 $0x280;
	s25 =	simm.s32 $0xA600  }
0x28: {  	[tilespmem:s25], [sflag:$0x1] =	stream.indirect.gather [hbm4b:s4+s14], $0x40, s26, s14, $0xb8;
	[tilespmem:$0x18A00] =	vst v63  }
0x29: {  	s25 =	simm.s32 $0x480;
	s26 =	simm.s32 $0x12600  }
0x2a: {  	[tilespmem:s26], [sflag:$0x1] =	stream.indirect.gather [hbm4b:s4+s14], $0x40, s25, s14, $0xb8;
	[tilespmem:$0x18A00] =	vst v63  }
0x2b: {  	s25 =	simm.s32 $0x100;
	s26 =	simm.s32 $0x4600  }
0x2c: {  	[tilespmem:s26], [sflag:$0x1] =	stream.indirect.gather [hbm4b:s3+s14], $0x40, s25, s14, $0xb8;
	[tilespmem:$0x18A00] =	vst v63  }
0x2d: {  	s25 =	simm.s32 $0x300;
	s26 =	simm.s32 $0xC600  }
0x2e: {  	[tilespmem:s26], [sflag:$0x1] =	stream.indirect.gather [hbm4b:s4+s14], $0x40, s25, s14, $0xb8;
	[tilespmem:$0x18A00] =	vst v63  }
0x2f: {  	_ = 	snop  }
0x30: {  	[tilespmem:s29], [sflag:$0x1] =	stream.indirect.gather [hbm4b:s4+s14], $0x40, s28, s14, $0xb8;
	[tilespmem:$0x18A00] =	vst v63  }
0x31: {  	_ = 	snop  }
0x32: {  	[tilespmem:s31], [sflag:$0x1] =	stream.indirect.gather [hbm4b:s3+s14], $0x40, s30, s14, $0xb8;
	[tilespmem:$0x18A00] =	vst v63  }
0x33: {  	_ = 	snop  }
0x34: {  	[tilespmem:s1], [sflag:$0x1] =	stream.indirect.gather [hbm4b:s4+s14], $0x40, s0, s14, $0xb8;
	[tilespmem:$0x18A00] =	vst v63  }
0x35: {  	_ = 	snop  }
0x36: {  	[tilespmem:s19], [sflag:$0x1] =	stream.indirect.gather [hbm4b:s4+s14], $0x40, s18, s14, $0xb8;
	[tilespmem:$0x18A00] =	vst v63  }
0x37: {  	_ =	swait.ge [sflag:s20], $0x2000  }
0x38: {  	[sflag:s20] =	ssyncset.done $0x0  }
0x39: {  	[sflag:s20] =	ssyncadd.s32 $0xFFFFE000  }
0x3a: {  	_ =	swait.ge [sflag:s20], $0x2000  }
0x3b: {  	[sflag:s20] =	ssyncset.done $0x0  }
0x3c: {  	[sflag:s20] =	ssyncadd.s32 $0xFFFFE000  }
0x3d: {  	_ =	swait.ge [sflag:s20], $0x2000  }
0x3e: {  	[sflag:s20] =	ssyncset.done $0x0  }
0x3f: {  	[sflag:s20] =	ssyncadd.s32 $0xFFFFE000  }
0x40: {  	_ =	swait.ge [sflag:s20], $0x2000  }
0x41: {  	[sflag:s20] =	ssyncset.done $0x0  }
0x42: {  	[sflag:s20] =	ssyncadd.s32 $0xFFFFE000  }
0x43: {  	_ =	swait.ge [sflag:s20], $0x2000  }
0x44: {  	[sflag:s20] =	ssyncset.done $0x0  }
0x45: {  	[sflag:s20] =	ssyncadd.s32 $0xFFFFE000  }
0x46: {  	_ =	swait.ge [sflag:s20], $0x2000  }
0x47: {  	[sflag:s20] =	ssyncset.done $0x0  }
0x48: {  	[sflag:s20] =	ssyncadd.s32 $0xFFFFE000  }
0x49: {  	_ =	swait.ge [sflag:s20], $0x2000  }
0x4a: {  	[sflag:s20] =	ssyncset.done $0x0  }
0x4b: {  	[sflag:s20] =	ssyncadd.s32 $0xFFFFE000  }
0x4c: {  	_ =	swait.ge [sflag:s20], $0x2000  }
0x4d: {  	[sflag:s20] =	ssyncset.done $0x0  }
0x4e: {  	[sflag:s20] =	ssyncadd.s32 $0xFFFFE000  }
0x4f: {  	_ =	swait.ge [sflag:s20], $0x2000  }
0x50: {  	[sflag:s20] =	ssyncset.done $0x0  }
0x51: {  	[sflag:s20] =	ssyncadd.s32 $0xFFFFE000  }
0x52: {  	_ =	swait.ge [sflag:s20], $0x2000  }
0x53: {  	[sflag:s20] =	ssyncset.done $0x0  }
0x54: {  	[sflag:s20] =	ssyncadd.s32 $0xFFFFE000  }
0x55: {  	_ =	swait.ge [sflag:s20], $0x2000  }
0x56: {  	[sflag:s20] =	ssyncset.done $0x0  }
0x57: {  	[sflag:s20] =	ssyncadd.s32 $0xFFFFE000  }
0x58: {  	_ =	swait.ge [sflag:s20], $0x2000  }
0x59: {  	[sflag:s20] =	ssyncset.done $0x0  }
0x5a: {  	s24 =	simm.s32 $0x0;
	[sflag:s20] =	ssyncadd.s32 $0xFFFFE000  }
.LBB2_2:
0x5b: {  	s26 =	simm.s32 $0x0  }
0x5c: {  	s25 =	sshll.u32 s24, $0x4;
	v1 =	vmov s26  }
0x5d: {  	v2 =	vmov s25;
	v1 =	vand.u32 $0x3F, v1  }
0x5e: {  	v2 =	vshll.u32 v2, $0x6;
	v3 =	vbroadcast v1, $0x0  }
0x5f: {  	v1 =	vor.u32 v0, v2  }
0x60: {  	s26 =	simm.s32 $0x1;
	v2 =	vor.u32 v1, v3  }
0x61: {  	v3 =	vmov s26  }
0x62: {  	v3 =	vand.u32 $0x3F, v3  }
0x63: {  	v3 =	vbroadcast v3, $0x0;
	_ =	sdelay $0x1  }
0x64: {  	v5 =	vor.u32 v1, v3;
	v7 =	vld.idx.msk [tilespmem:v2+s15+$0x0], $0xffff  }
0x65: {  	s26 =	simm.s32 $0x2;
	v8 =	vld.idx.msk [tilespmem:v2+s17+$0x0], $0xffff  }
0x66: {  	v10 =	vld.idx.msk [tilespmem:v2+s16+$0x0], $0xffff;
	v2 =	vmov s26  }
0x67: {  	v2 =	vand.u32 $0x3F, v2  }
0x68: {  	v4 =	vbroadcast v2, $0x0  }
0x69: {  	v2 =	vld.idx.msk [tilespmem:v5+s15+$0x0], $0xffff  }
0x6a: {  	v6 =	vor.u32 v1, v4;
	v4 =	vld.idx.msk [tilespmem:v5+s17+$0x0], $0xffff;
	v9 =	vmul.f32 v8, v7  }
0x6b: {  	v3 =	vimm.f32 $0.0e+00;
	s26 =	simm.s32 $0x3;
	v5 =	vld.idx.msk [tilespmem:v5+s16+$0x0], $0xffff;
	v10 =	vmul.f32 v10, v7;
	v7 =	vimm.f32 $0.0e+00;
	v8 =	vmovc v6  }
.LBB2_3:
0x6c: {  	v11 =	vmov s26;
	v3 =	vadd.f32 v9, v3;
	p0 =	sne.s32 s26, $0x3F  }
.Ltmp0:
0x6d: {  	s26 =	sadd.s32 $0x1, s26;
	v9 =	vand.u32 $0x3F, v11;
	v7 =	vadd.f32 v10, v7;
	(pc) =	sbr.rel @p0 .LBB2_3-.Ltmp0, $4  }
0x6e: {  	v9 =	vbroadcast v9, $0x0  }
0x6f: {  	v10 =	vmov v2;
	v2 =	vld.idx.msk [tilespmem:v6+s15+$0x0], $0xffff  }
0x70: {  	v6 =	vor.u32 v1, v9;
	v9 =	vmul.f32 v4, v10;
	v4 =	vld.idx.msk [tilespmem:v8+s17+$0x0], $0xffff  }
0x71: {  	v10 =	vmul.f32 v5, v10;
	v5 =	vld.idx.msk [tilespmem:v8+s16+$0x0], $0xffff;
	v8 =	vmov v6  }
0x72: {  	_ =	sdelay $0x3  }
0x73: {  	v1 =	vld.idx.msk [tilespmem:v6+s15+$0x0], $0xffff  }
0x74: {  	v60 =	vld.idx.msk [tilespmem:v8+s16+$0x0], $0xffff  }
0x75: {  	v61 =	vld.idx.msk [tilespmem:v8+s17+$0x0], $0xffff;
	_ =	sdelay $0x1  }
0x76: {  	v7 =	vadd.f32 v10, v7;
	v5 =	vmul.f32 v5, v2  }
0x77: {  	v3 =	vadd.f32 v9, v3;
	s24 =	sadd.s32 $0x1, s24;
	v2 =	vmul.f32 v4, v2  }
0x78: {  	p0 =	sne.s32 s24, $0x20;
	v63 =	vmul.f32 v60, v1;
	v62 =	vadd.f32 v5, v7  }
.Ltmp1:
0x79: {  	v1 =	vmul.f32 v61, v1;
	v2 =	vadd.f32 v2, v3;
	(pc) =	sbr.rel @p0 .LBB2_2-.Ltmp1, $4  }
0x7a: {  	v3 =	vadd.f32 v63, v62  }
0x7b: {  	v1 =	vadd.f32 v1, v2  }
0x7c: {  	[tilespmem:s25+$0x18600] =	vst v3  }
0x7d: {  	[tilespmem:s25+$0x18800] =	vst v1  }
0x7e: {  	[hbm4b:s8+s2] =	stream.linear.scatter [tilespmem:s21], [sflag:$0x2], $0x200, $0x38;
	[tilespmem:$0x18A00] =	vst v63  }
0x7f: {  	s23 =	sadd.s32 $0x1, s23;
	_ =	swait.ge [sflag:s11], $0x200  }
0x80: {  	p0 =	sne.s32 s23, s10;
	[sflag:s11] =	ssyncset.done $0x0  }
.Ltmp2:
0x81: {  	[sflag:s11] =	ssyncadd.s32 $0xFFFFFE00;
	(pc) =	sbr.rel @p0 .LBB2_1-.Ltmp2, $4  }
0x82: {  	[hbm4b:s9+s2] =	stream.linear.scatter [tilespmem:s22], [sflag:$0x2], $0x200, $0x38;
	[tilespmem:$0x18A00] =	vst v63  }
0x83: {  	_ =	swait.ge [sflag:s11], $0x200  }
0x84: {  	[sflag:s11] =	ssyncset.done $0x0  }
0x85: {  	[sflag:s11] =	ssyncadd.s32 $0xFFFFFE00  }
0x86: {  	_ =	sfence.sel $0x180000  }
0x87: {  	[bflag:$0x0] =	sbarrier.arrive $0xFFFF  }
0x88: {  	_ =	strace $0x90000047  }
0x89: {  	s0 =	stileid.u32;
	[bflag:$0x2] =	sbarrier.arrive $0xFFFF  }
0x8a: {  	p0 =	sne.s32 s0, $0x0;
	s0 =	rddreg [dreg:$0x6]  }
0x8b: {  	s0 =	sadd.s32 @!p0 $0x100000, s0  }
0x8c: {  	[sflag:s0] =	ssyncadd.tile.s32 @!p0 $0x1;
	_ =	shalt  }
.Lfunc_end2:
_tile_overlayer_lowered:
.L_overlay_start_2:
0x8d: {  	(tag) =	ssettag $0x2  }
0x8e: {  	s0 =	rddreg [dreg:$0x0];
	s2 =	stileid.u32  }
0x8f: {  	s1 =	rddreg [dreg:$0x1];
	p0 =	sne.s32 s2, $0x0  }
0x90: {  	s3 =	rddreg [dreg:$0x2];
	[bflag:$0x3] =	sbarrier.arrive $0xFFFF;
	s2 =	simm.s32 @!p0 $0x1C02  }
0x91: {  	[timem:s3], [sflag:s2] =	dma.local @!p0 [hbm:s0], s1  }
0x92: {  	s0 =	simm.s32 @!p0 $0x2  }
0x93: {  	_ =	swait.ge @!p0 [sflag:s0], s1  }
0x94: {  	s1 =	ssub.s32 @!p0 $0x0, s1;
	[sflag:s0] =	ssyncset.done @!p0 $0x0  }
0x95: {  	[sflag:s0] =	ssyncadd.s32 @!p0 s1  }
0x96: {  	[bflag:$0x3] =	sbarrier.arrive $0xFFFF  }
0x97: {  	_ =	shalt  }

</sc_bundles>
